<compile_context>
chip_gen: v7x
topology: tpu7x:2x2x1
jax: 0.10.2.dev20260603
libtpu: 0.0.44.dev20260713+nightly
codegen_flags: <defaults>
</compile_context>

<pallas_src>
import jax
import jax.numpy as jnp
from jax import lax
from jax.experimental import pallas as pl
from jax.experimental.pallas import tpu as pltpu
from jax.experimental.pallas import tpu_sc as plsc

_B, _S, _D = 4, 8192, 1024
_NC, _NS = 2, 16
_NW = _NC * _NS
_RPW = _B * _S // _NW
_WPB = _S // _RPW
_C = 32
_NCHUNK = _RPW // _C
_LANES = 16


def _body(x_hbm, idx_hbm, out_hbm, idx_v, buf0, buf1,
          gsem0, gsem1, ssem0, ssem1):
    wid = lax.axis_index("s") * _NC + lax.axis_index("c")
    b = wid // _WPB
    seq_lo = (wid % _WPB) * _RPW
    out_lo = wid * _RPW

    pltpu.sync_copy(idx_hbm.at[pl.ds(seq_lo, _RPW)], idx_v)
    x_batch = x_hbm.at[pl.ds(pl.multiple_of(b * _S, _S), _S)]

    bufs = (buf0, buf1)
    gsems = (gsem0, gsem1)
    ssems = (ssem0, ssem1)

    def _gather_desc(g, par):
        off = pl.multiple_of(g * _C, _C)
        src = x_batch.at[idx_v.at[pl.ds(off, _C)]]
        return pltpu.make_async_copy(src, bufs[par], gsems[par])

    def _store_desc(g, par):
        dst = out_hbm.at[pl.ds(out_lo + g * _C, _C)]
        return pltpu.make_async_copy(bufs[par], dst, ssems[par])

    _gather_desc(0, 0).start()
    _gather_desc(1, 1).start()

    @pl.loop(0, _NCHUNK - 2, step=2)
    def _chunk_pair(g0):
        for par in range(2):
            g = g0 + par
            _gather_desc(g, par).wait()
            st = _store_desc(g, par)
            st.start()
            st.wait()
            _gather_desc(g + 2, par).start()

    for par in range(2):
        g = _NCHUNK - 2 + par
        _gather_desc(g, par).wait()
        _store_desc(g, par).start()
    for par in range(2):
        _store_desc(_NCHUNK - 2 + par, par).wait()


def _build():
    mesh = plsc.VectorSubcoreMesh(
        core_axis_name="c", subcore_axis_name="s",
        num_cores=_NC, num_subcores=_NS)
    return pl.kernel(
        _body,
        out_type=jax.ShapeDtypeStruct((_B * _S, _D), jnp.float32),
        mesh=mesh,
        scratch_types=[
            pltpu.VMEM((_RPW,), jnp.int32),
            pltpu.VMEM((_C, _D), jnp.float32),
            pltpu.VMEM((_C, _D), jnp.float32),
            pltpu.SemaphoreType.DMA,
            pltpu.SemaphoreType.DMA,
            pltpu.SemaphoreType.DMA,
            pltpu.SemaphoreType.DMA,
        ],
    )


def kernel(x, index):
    B, S, D = x.shape
    assert (B, S, D) == (_B, _S, _D)
    out = _build()(x.reshape(B * S, D), index.astype(jnp.int32))
    return out.reshape(B, S, D)

# --- scband reference (transcript-rebuilt; emitter-appended) ---
"""Pipeline reference for scband-shuffle-sample-3582002725284 (READ-ONLY COPY).

The authoritative reference and input builder live on the scoring server;
editing this copy changes nothing except your own understanding.
"""

import jax, jax.numpy as jnp
import numpy as np

B, S, D = 4, 8192, 1024

def setup_inputs(seed: int = 0) -> dict:
    key = jax.random.key(seed)
    k1, k2 = jax.random.split(key)
    x = jax.random.normal(k1, (B, S, D), dtype=jnp.float32)
    # torch.randperm(s) equivalent; materialized as a fixed permutation so the
    # reference is deterministic.
    index = jax.random.permutation(k2, S).astype(jnp.int32)
    return {"x": x, "index": index}

def reference(x, index):
    # training-mode path of shuffle_sample_: x[:, index]
    # gather along the sequence (dim -2) axis
    return jnp.take(x, index, axis=1)

if __name__ == "__main__":
    import jax
    _d = setup_inputs()
    print(jax.jit(kernel)(*tuple(_d.values())))

</pallas_src>

<mosaic_0001>
#map = affine_map<(d0, d1) -> (0, 0)>
#map1 = affine_map<(d0, d1) -> (0)>
module attributes {stable_mosaic.version = 14 : i64} {
  func.func @_body(%arg0: i32, %arg1: i32, %arg2: memref<32768x1024xf32, #tpu.memory_space<hbm>>, %arg3: memref<8192xi32, #tpu.memory_space<hbm>>, %arg4: memref<32768x1024xf32, #tpu.memory_space<hbm>>, %arg5: memref<1024xi32, #tpu.memory_space<vmem>>, %arg6: memref<32x1024xf32, #tpu.memory_space<vmem>>, %arg7: memref<32x1024xf32, #tpu.memory_space<vmem>>, %arg8: memref<!tpu.dma_semaphore, #tpu.memory_space<semaphore_mem>>, %arg9: memref<!tpu.dma_semaphore, #tpu.memory_space<semaphore_mem>>, %arg10: memref<!tpu.dma_semaphore, #tpu.memory_space<semaphore_mem>>, %arg11: memref<!tpu.dma_semaphore, #tpu.memory_space<semaphore_mem>>) attributes {dimension_semantics = [#tpu.dimension_semantics<core_parallel>, #tpu.dimension_semantics<subcore_parallel>], iteration_bounds = array<i64: 2, 16>, scalar_prefetch = 0 : i64, scratch_operands = 7 : i64, tpu.core_type = #tpu.core_type<sc_vector_subcore>, window_params = [{transform_indices = #map}, {transform_indices = #map1}, {transform_indices = #map}]} {
    %mul3A = arith.constant 2 : i32
    %mul3A_0 = arith.muli %arg1, %mul3A : i32
    %add3A = arith.addi %mul3A_0, %arg0 : i32
    %jit3A = arith.constant 8 : i32
    %div3A = arith.divsi %add3A, %jit3A : i32
    %sign3A = arith.constant 0 : i32
    %sign3A_1 = arith.cmpi sgt, %add3A, %sign3A : i32
    %sign3A_2 = arith.extui %sign3A_1 : i1 to i32
    %sign3A_3 = arith.constant 0 : i32
    %sign3A_4 = arith.cmpi slt, %add3A, %sign3A_3 : i32
    %sign3A_5 = arith.extui %sign3A_4 : i1 to i32
    %sign3A_6 = arith.subi %sign3A_2, %sign3A_5 : i32
    %sign3A_7 = arith.constant 0 : i32
    %sign3A_8 = arith.cmpi sgt, %jit3A, %sign3A_7 : i32
    %sign3A_9 = arith.extui %sign3A_8 : i1 to i32
    %sign3A_10 = arith.constant 0 : i32
    %sign3A_11 = arith.cmpi slt, %jit3A, %sign3A_10 : i32
    %sign3A_12 = arith.extui %sign3A_11 : i1 to i32
    %sign3A_13 = arith.subi %sign3A_9, %sign3A_12 : i32
    %ne3A = arith.cmpi ne, %sign3A_6, %sign3A_13 : i32
    %rem3A = arith.remsi %add3A, %jit3A : i32
    %ne3A_14 = arith.constant 0 : i32
    %ne3A_15 = arith.cmpi ne, %rem3A, %ne3A_14 : i32
    %and3A = arith.andi %ne3A, %ne3A_15 : i1
    %sub3A = arith.constant 1 : i32
    %sub3A_16 = arith.subi %div3A, %sub3A : i32
    %select_n3A = arith.select %and3A, %sub3A_16, %div3A : i32
    %jit3A_17 = arith.constant 8 : i32
    %eq3A = arith.constant 0 : i32
    %eq3A_18 = arith.cmpi eq, %jit3A_17, %eq3A : i32
    %jit3A_19 = arith.constant 1 : i32
    %select_n3A_20 = arith.select %eq3A_18, %jit3A_19, %jit3A_17 : i32
    %rem3A_21 = arith.remsi %add3A, %select_n3A_20 : i32
    %ne3A_22 = arith.constant 0 : i32
    %ne3A_23 = arith.cmpi ne, %rem3A_21, %ne3A_22 : i32
    %lt3A = arith.constant 0 : i32
    %lt3A_24 = arith.cmpi slt, %rem3A_21, %lt3A : i32
    %lt3A_25 = arith.constant 0 : i32
    %lt3A_26 = arith.cmpi slt, %select_n3A_20, %lt3A_25 : i32
    %ne3A_27 = arith.xori %lt3A_24, %lt3A_26 : i1
    %and3A_28 = arith.andi %ne3A_27, %ne3A_23 : i1
    %add3A_29 = arith.addi %rem3A_21, %select_n3A_20 : i32
    %select_n3A_30 = arith.select %and3A_28, %add3A_29, %rem3A_21 : i32
    %mul3A_31 = arith.constant 1024 : i32
    %mul3A_32 = arith.muli %select_n3A_30, %mul3A_31 : i32
    %mul3A_33 = arith.constant 1024 : i32
    %mul3A_34 = arith.muli %add3A, %mul3A_33 : i32
    "tpu.region"() ({
      %run_scoped3A = tpu.sem_alloc : memref<!tpu.dma_semaphore, #tpu.memory_space<semaphore_mem>>
      %dma_start3A_95 = tpu.memref_slice %arg3[%mul3A_32] : memref<8192xi32, #tpu.memory_space<hbm>> -> memref<1024xi32, #tpu.memory_space<hbm>>
      %dma_start3A_96 = tpu.memref_slice %arg3[%mul3A_32] : memref<8192xi32, #tpu.memory_space<hbm>> -> memref<1024xi32, #tpu.memory_space<hbm>>
      tpu.enqueue_dma source(%dma_start3A_96 : memref<1024xi32, #tpu.memory_space<hbm>>) target(%arg5 : memref<1024xi32, #tpu.memory_space<vmem>>) target_semaphore(%run_scoped3A : memref<!tpu.dma_semaphore, #tpu.memory_space<semaphore_mem>>)
      %dma_wait3A_97 = tpu.memref_slice %arg3[%mul3A_32] : memref<8192xi32, #tpu.memory_space<hbm>> -> memref<1024xi32, #tpu.memory_space<hbm>>
      %dma_wait3A_98 = tpu.memref_slice %arg3[%mul3A_32] : memref<8192xi32, #tpu.memory_space<hbm>> -> memref<1024xi32, #tpu.memory_space<hbm>>
      tpu.wait_dma2 semaphore(%run_scoped3A : memref<!tpu.dma_semaphore, #tpu.memory_space<semaphore_mem>>) src(%dma_wait3A_98 : memref<1024xi32, #tpu.memory_space<hbm>>) dst(%arg5 : memref<1024xi32, #tpu.memory_space<vmem>>)
      tpu.yield
    }) : () -> ()
    %mul3A_35 = arith.constant 8192 : i32
    %mul3A_36 = arith.muli %select_n3A, %mul3A_35 : i32
    %multiple_of3A = tpu.assume_multiple %mul3A_36, 8192 : i32
    %multiple_of3A_37 = arith.constant 0 : i32
    %multiple_of3A_38 = tpu.assume_multiple %multiple_of3A_37, 32 : i32
    %dma_start3A = tpu.memref_slice %arg5[%multiple_of3A_38] : memref<1024xi32, #tpu.memory_space<vmem>> -> memref<32xi32, #tpu.memory_space<vmem>>
    %dma_start3A_39 = arith.constant 0 : i32
    %dma_start3A_40 = tpu.memref_slice %arg2[%multiple_of3A, %dma_start3A_39] : memref<32768x1024xf32, #tpu.memory_space<hbm>> -> memref<8192x1024xf32, #tpu.memory_space<hbm>>
    %dma_start3A_41 = arith.constant 0 : i32
    %dma_start3A_42 = arith.constant 0 : i32
    %dma_start3A_43 = tpu.memref_slice %dma_start3A_40[%dma_start3A_41, %dma_start3A_42] : memref<8192x1024xf32, #tpu.memory_space<hbm>> -> memref<8192x1024xf32, #tpu.memory_space<hbm>>
    tpu.enqueue_indirect_dma source(%dma_start3A_43 : memref<8192x1024xf32, #tpu.memory_space<hbm>>) target(%arg6 : memref<32x1024xf32, #tpu.memory_space<vmem>>) offsets(%dma_start3A : memref<32xi32, #tpu.memory_space<vmem>>) semaphore(%arg8 : memref<!tpu.dma_semaphore, #tpu.memory_space<semaphore_mem>>)
    %multiple_of3A_44 = arith.constant 32 : i32
    %multiple_of3A_45 = tpu.assume_multiple %multiple_of3A_44, 32 : i32
    %dma_start3A_46 = tpu.memref_slice %arg5[%multiple_of3A_45] : memref<1024xi32, #tpu.memory_space<vmem>> -> memref<32xi32, #tpu.memory_space<vmem>>
    %dma_start3A_47 = arith.constant 0 : i32
    %dma_start3A_48 = tpu.memref_slice %arg2[%multiple_of3A, %dma_start3A_47] : memref<32768x1024xf32, #tpu.memory_space<hbm>> -> memref<8192x1024xf32, #tpu.memory_space<hbm>>
    %dma_start3A_49 = arith.constant 0 : i32
    %dma_start3A_50 = arith.constant 0 : i32
    %dma_start3A_51 = tpu.memref_slice %dma_start3A_48[%dma_start3A_49, %dma_start3A_50] : memref<8192x1024xf32, #tpu.memory_space<hbm>> -> memref<8192x1024xf32, #tpu.memory_space<hbm>>
    tpu.enqueue_indirect_dma source(%dma_start3A_51 : memref<8192x1024xf32, #tpu.memory_space<hbm>>) target(%arg7 : memref<32x1024xf32, #tpu.memory_space<vmem>>) offsets(%dma_start3A_46 : memref<32xi32, #tpu.memory_space<vmem>>) semaphore(%arg9 : memref<!tpu.dma_semaphore, #tpu.memory_space<semaphore_mem>>)
    %scan3A = arith.constant 0 : i32
    %scan3A_52 = arith.constant 15 : i32
    %scan3A_53 = arith.addi %scan3A, %scan3A_52 : i32
    %scan3A_54 = arith.constant 1 : i32
    scf.for %scan3A_95 = %scan3A to %scan3A_53 step %scan3A_54  : i32 {
      %mul3A_96 = arith.constant 2 : i32
      %mul3A_97 = arith.muli %scan3A_95, %mul3A_96 : i32
      %add3A_98 = arith.constant 0 : i32
      %add3A_99 = arith.addi %add3A_98, %mul3A_97 : i32
      %add3A_100 = arith.constant 0 : i32
      %add3A_101 = arith.addi %add3A_99, %add3A_100 : i32
      %mul3A_102 = arith.constant 32 : i32
      %mul3A_103 = arith.muli %add3A_101, %mul3A_102 : i32
      %multiple_of3A_104 = tpu.assume_multiple %mul3A_103, 32 : i32
      %dma_wait3A_105 = tpu.memref_slice %arg5[%multiple_of3A_104] : memref<1024xi32, #tpu.memory_space<vmem>> -> memref<32xi32, #tpu.memory_space<vmem>>
      %dma_wait3A_106 = arith.constant 0 : i32
      %dma_wait3A_107 = tpu.memref_slice %arg2[%multiple_of3A, %dma_wait3A_106] : memref<32768x1024xf32, #tpu.memory_space<hbm>> -> memref<8192x1024xf32, #tpu.memory_space<hbm>>
      %dma_wait3A_108 = arith.constant 0 : i32
      %dma_wait3A_109 = arith.constant 0 : i32
      %dma_wait3A_110 = tpu.memref_slice %dma_wait3A_107[%dma_wait3A_108, %dma_wait3A_109] : memref<8192x1024xf32, #tpu.memory_space<hbm>> -> memref<8192x1024xf32, #tpu.memory_space<hbm>>
      tpu.wait_indirect_dma semaphore(%arg8 : memref<!tpu.dma_semaphore, #tpu.memory_space<semaphore_mem>>) src(%dma_wait3A_110 : memref<8192x1024xf32, #tpu.memory_space<hbm>>) dst(%arg6 : memref<32x1024xf32, #tpu.memory_space<vmem>>)
      %mul3A_111 = arith.constant 32 : i32
      %mul3A_112 = arith.muli %add3A_101, %mul3A_111 : i32
      %add3A_113 = arith.addi %mul3A_34, %mul3A_112 : i32
      %dma_start3A_114 = arith.constant 0 : i32
      %dma_start3A_115 = tpu.memref_slice %arg4[%add3A_113, %dma_start3A_114] : memref<32768x1024xf32, #tpu.memory_space<hbm>> -> memref<32x1024xf32, #tpu.memory_space<hbm>>
      %dma_start3A_116 = arith.constant 0 : i32
      %dma_start3A_117 = tpu.memref_slice %arg4[%add3A_113, %dma_start3A_116] : memref<32768x1024xf32, #tpu.memory_space<hbm>> -> memref<32x1024xf32, #tpu.memory_space<hbm>>
      tpu.enqueue_dma source(%arg6 : memref<32x1024xf32, #tpu.memory_space<vmem>>) target(%dma_start3A_117 : memref<32x1024xf32, #tpu.memory_space<hbm>>) target_semaphore(%arg10 : memref<!tpu.dma_semaphore, #tpu.memory_space<semaphore_mem>>)
      %dma_wait3A_118 = arith.constant 0 : i32
      %dma_wait3A_119 = tpu.memref_slice %arg4[%add3A_113, %dma_wait3A_118] : memref<32768x1024xf32, #tpu.memory_space<hbm>> -> memref<32x1024xf32, #tpu.memory_space<hbm>>
      %dma_wait3A_120 = arith.constant 0 : i32
      %dma_wait3A_121 = tpu.memref_slice %arg4[%add3A_113, %dma_wait3A_120] : memref<32768x1024xf32, #tpu.memory_space<hbm>> -> memref<32x1024xf32, #tpu.memory_space<hbm>>
      tpu.wait_dma2 semaphore(%arg10 : memref<!tpu.dma_semaphore, #tpu.memory_space<semaphore_mem>>) src(%arg6 : memref<32x1024xf32, #tpu.memory_space<vmem>>) dst(%dma_wait3A_121 : memref<32x1024xf32, #tpu.memory_space<hbm>>)
      %add3A_122 = arith.constant 2 : i32
      %add3A_123 = arith.addi %add3A_101, %add3A_122 : i32
      %mul3A_124 = arith.constant 32 : i32
      %mul3A_125 = arith.muli %add3A_123, %mul3A_124 : i32
      %multiple_of3A_126 = tpu.assume_multiple %mul3A_125, 32 : i32
      %dma_start3A_127 = tpu.memref_slice %arg5[%multiple_of3A_126] : memref<1024xi32, #tpu.memory_space<vmem>> -> memref<32xi32, #tpu.memory_space<vmem>>
      %dma_start3A_128 = arith.constant 0 : i32
      %dma_start3A_129 = tpu.memref_slice %arg2[%multiple_of3A, %dma_start3A_128] : memref<32768x1024xf32, #tpu.memory_space<hbm>> -> memref<8192x1024xf32, #tpu.memory_space<hbm>>
      %dma_start3A_130 = arith.constant 0 : i32
      %dma_start3A_131 = arith.constant 0 : i32
      %dma_start3A_132 = tpu.memref_slice %dma_start3A_129[%dma_start3A_130, %dma_start3A_131] : memref<8192x1024xf32, #tpu.memory_space<hbm>> -> memref<8192x1024xf32, #tpu.memory_space<hbm>>
      tpu.enqueue_indirect_dma source(%dma_start3A_132 : memref<8192x1024xf32, #tpu.memory_space<hbm>>) target(%arg6 : memref<32x1024xf32, #tpu.memory_space<vmem>>) offsets(%dma_start3A_127 : memref<32xi32, #tpu.memory_space<vmem>>) semaphore(%arg8 : memref<!tpu.dma_semaphore, #tpu.memory_space<semaphore_mem>>)
      %add3A_133 = arith.constant 1 : i32
      %add3A_134 = arith.addi %add3A_99, %add3A_133 : i32
      %mul3A_135 = arith.constant 32 : i32
      %mul3A_136 = arith.muli %add3A_134, %mul3A_135 : i32
      %multiple_of3A_137 = tpu.assume_multiple %mul3A_136, 32 : i32
      %dma_wait3A_138 = tpu.memref_slice %arg5[%multiple_of3A_137] : memref<1024xi32, #tpu.memory_space<vmem>> -> memref<32xi32, #tpu.memory_space<vmem>>
      %dma_wait3A_139 = arith.constant 0 : i32
      %dma_wait3A_140 = tpu.memref_slice %arg2[%multiple_of3A, %dma_wait3A_139] : memref<32768x1024xf32, #tpu.memory_space<hbm>> -> memref<8192x1024xf32, #tpu.memory_space<hbm>>
      %dma_wait3A_141 = arith.constant 0 : i32
      %dma_wait3A_142 = arith.constant 0 : i32
      %dma_wait3A_143 = tpu.memref_slice %dma_wait3A_140[%dma_wait3A_141, %dma_wait3A_142] : memref<8192x1024xf32, #tpu.memory_space<hbm>> -> memref<8192x1024xf32, #tpu.memory_space<hbm>>
      tpu.wait_indirect_dma semaphore(%arg9 : memref<!tpu.dma_semaphore, #tpu.memory_space<semaphore_mem>>) src(%dma_wait3A_143 : memref<8192x1024xf32, #tpu.memory_space<hbm>>) dst(%arg7 : memref<32x1024xf32, #tpu.memory_space<vmem>>)
      %mul3A_144 = arith.constant 32 : i32
      %mul3A_145 = arith.muli %add3A_134, %mul3A_144 : i32
      %add3A_146 = arith.addi %mul3A_34, %mul3A_145 : i32
      %dma_start3A_147 = arith.constant 0 : i32
      %dma_start3A_148 = tpu.memref_slice %arg4[%add3A_146, %dma_start3A_147] : memref<32768x1024xf32, #tpu.memory_space<hbm>> -> memref<32x1024xf32, #tpu.memory_space<hbm>>
      %dma_start3A_149 = arith.constant 0 : i32
      %dma_start3A_150 = tpu.memref_slice %arg4[%add3A_146, %dma_start3A_149] : memref<32768x1024xf32, #tpu.memory_space<hbm>> -> memref<32x1024xf32, #tpu.memory_space<hbm>>
      tpu.enqueue_dma source(%arg7 : memref<32x1024xf32, #tpu.memory_space<vmem>>) target(%dma_start3A_150 : memref<32x1024xf32, #tpu.memory_space<hbm>>) target_semaphore(%arg11 : memref<!tpu.dma_semaphore, #tpu.memory_space<semaphore_mem>>)
      %dma_wait3A_151 = arith.constant 0 : i32
      %dma_wait3A_152 = tpu.memref_slice %arg4[%add3A_146, %dma_wait3A_151] : memref<32768x1024xf32, #tpu.memory_space<hbm>> -> memref<32x1024xf32, #tpu.memory_space<hbm>>
      %dma_wait3A_153 = arith.constant 0 : i32
      %dma_wait3A_154 = tpu.memref_slice %arg4[%add3A_146, %dma_wait3A_153] : memref<32768x1024xf32, #tpu.memory_space<hbm>> -> memref<32x1024xf32, #tpu.memory_space<hbm>>
      tpu.wait_dma2 semaphore(%arg11 : memref<!tpu.dma_semaphore, #tpu.memory_space<semaphore_mem>>) src(%arg7 : memref<32x1024xf32, #tpu.memory_space<vmem>>) dst(%dma_wait3A_154 : memref<32x1024xf32, #tpu.memory_space<hbm>>)
      %add3A_155 = arith.constant 2 : i32
      %add3A_156 = arith.addi %add3A_134, %add3A_155 : i32
      %mul3A_157 = arith.constant 32 : i32
      %mul3A_158 = arith.muli %add3A_156, %mul3A_157 : i32
      %multiple_of3A_159 = tpu.assume_multiple %mul3A_158, 32 : i32
      %dma_start3A_160 = tpu.memref_slice %arg5[%multiple_of3A_159] : memref<1024xi32, #tpu.memory_space<vmem>> -> memref<32xi32, #tpu.memory_space<vmem>>
      %dma_start3A_161 = arith.constant 0 : i32
      %dma_start3A_162 = tpu.memref_slice %arg2[%multiple_of3A, %dma_start3A_161] : memref<32768x1024xf32, #tpu.memory_space<hbm>> -> memref<8192x1024xf32, #tpu.memory_space<hbm>>
      %dma_start3A_163 = arith.constant 0 : i32
      %dma_start3A_164 = arith.constant 0 : i32
      %dma_start3A_165 = tpu.memref_slice %dma_start3A_162[%dma_start3A_163, %dma_start3A_164] : memref<8192x1024xf32, #tpu.memory_space<hbm>> -> memref<8192x1024xf32, #tpu.memory_space<hbm>>
      tpu.enqueue_indirect_dma source(%dma_start3A_165 : memref<8192x1024xf32, #tpu.memory_space<hbm>>) target(%arg7 : memref<32x1024xf32, #tpu.memory_space<vmem>>) offsets(%dma_start3A_160 : memref<32xi32, #tpu.memory_space<vmem>>) semaphore(%arg9 : memref<!tpu.dma_semaphore, #tpu.memory_space<semaphore_mem>>)
    }
    %scan3A_55 = arith.constant 15 : i32
    %multiple_of3A_56 = arith.constant 960 : i32
    %multiple_of3A_57 = tpu.assume_multiple %multiple_of3A_56, 32 : i32
    %dma_wait3A = tpu.memref_slice %arg5[%multiple_of3A_57] : memref<1024xi32, #tpu.memory_space<vmem>> -> memref<32xi32, #tpu.memory_space<vmem>>
    %dma_wait3A_58 = arith.constant 0 : i32
    %dma_wait3A_59 = tpu.memref_slice %arg2[%multiple_of3A, %dma_wait3A_58] : memref<32768x1024xf32, #tpu.memory_space<hbm>> -> memref<8192x1024xf32, #tpu.memory_space<hbm>>
    %dma_wait3A_60 = arith.constant 0 : i32
    %dma_wait3A_61 = arith.constant 0 : i32
    %dma_wait3A_62 = tpu.memref_slice %dma_wait3A_59[%dma_wait3A_60, %dma_wait3A_61] : memref<8192x1024xf32, #tpu.memory_space<hbm>> -> memref<8192x1024xf32, #tpu.memory_space<hbm>>
    tpu.wait_indirect_dma semaphore(%arg8 : memref<!tpu.dma_semaphore, #tpu.memory_space<semaphore_mem>>) src(%dma_wait3A_62 : memref<8192x1024xf32, #tpu.memory_space<hbm>>) dst(%arg6 : memref<32x1024xf32, #tpu.memory_space<vmem>>)
    %add3A_63 = arith.constant 960 : i32
    %add3A_64 = arith.addi %mul3A_34, %add3A_63 : i32
    %dma_start3A_65 = arith.constant 0 : i32
    %dma_start3A_66 = tpu.memref_slice %arg4[%add3A_64, %dma_start3A_65] : memref<32768x1024xf32, #tpu.memory_space<hbm>> -> memref<32x1024xf32, #tpu.memory_space<hbm>>
    %dma_start3A_67 = arith.constant 0 : i32
    %dma_start3A_68 = tpu.memref_slice %arg4[%add3A_64, %dma_start3A_67] : memref<32768x1024xf32, #tpu.memory_space<hbm>> -> memref<32x1024xf32, #tpu.memory_space<hbm>>
    tpu.enqueue_dma source(%arg6 : memref<32x1024xf32, #tpu.memory_space<vmem>>) target(%dma_start3A_68 : memref<32x1024xf32, #tpu.memory_space<hbm>>) target_semaphore(%arg10 : memref<!tpu.dma_semaphore, #tpu.memory_space<semaphore_mem>>)
    %multiple_of3A_69 = arith.constant 992 : i32
    %multiple_of3A_70 = tpu.assume_multiple %multiple_of3A_69, 32 : i32
    %dma_wait3A_71 = tpu.memref_slice %arg5[%multiple_of3A_70] : memref<1024xi32, #tpu.memory_space<vmem>> -> memref<32xi32, #tpu.memory_space<vmem>>
    %dma_wait3A_72 = arith.constant 0 : i32
    %dma_wait3A_73 = tpu.memref_slice %arg2[%multiple_of3A, %dma_wait3A_72] : memref<32768x1024xf32, #tpu.memory_space<hbm>> -> memref<8192x1024xf32, #tpu.memory_space<hbm>>
    %dma_wait3A_74 = arith.constant 0 : i32
    %dma_wait3A_75 = arith.constant 0 : i32
    %dma_wait3A_76 = tpu.memref_slice %dma_wait3A_73[%dma_wait3A_74, %dma_wait3A_75] : memref<8192x1024xf32, #tpu.memory_space<hbm>> -> memref<8192x1024xf32, #tpu.memory_space<hbm>>
    tpu.wait_indirect_dma semaphore(%arg9 : memref<!tpu.dma_semaphore, #tpu.memory_space<semaphore_mem>>) src(%dma_wait3A_76 : memref<8192x1024xf32, #tpu.memory_space<hbm>>) dst(%arg7 : memref<32x1024xf32, #tpu.memory_space<vmem>>)
    %add3A_77 = arith.constant 992 : i32
    %add3A_78 = arith.addi %mul3A_34, %add3A_77 : i32
    %dma_start3A_79 = arith.constant 0 : i32
    %dma_start3A_80 = tpu.memref_slice %arg4[%add3A_78, %dma_start3A_79] : memref<32768x1024xf32, #tpu.memory_space<hbm>> -> memref<32x1024xf32, #tpu.memory_space<hbm>>
    %dma_start3A_81 = arith.constant 0 : i32
    %dma_start3A_82 = tpu.memref_slice %arg4[%add3A_78, %dma_start3A_81] : memref<32768x1024xf32, #tpu.memory_space<hbm>> -> memref<32x1024xf32, #tpu.memory_space<hbm>>
    tpu.enqueue_dma source(%arg7 : memref<32x1024xf32, #tpu.memory_space<vmem>>) target(%dma_start3A_82 : memref<32x1024xf32, #tpu.memory_space<hbm>>) target_semaphore(%arg11 : memref<!tpu.dma_semaphore, #tpu.memory_space<semaphore_mem>>)
    %add3A_83 = arith.constant 960 : i32
    %add3A_84 = arith.addi %mul3A_34, %add3A_83 : i32
    %dma_wait3A_85 = arith.constant 0 : i32
    %dma_wait3A_86 = tpu.memref_slice %arg4[%add3A_84, %dma_wait3A_85] : memref<32768x1024xf32, #tpu.memory_space<hbm>> -> memref<32x1024xf32, #tpu.memory_space<hbm>>
    %dma_wait3A_87 = arith.constant 0 : i32
    %dma_wait3A_88 = tpu.memref_slice %arg4[%add3A_84, %dma_wait3A_87] : memref<32768x1024xf32, #tpu.memory_space<hbm>> -> memref<32x1024xf32, #tpu.memory_space<hbm>>
    tpu.wait_dma2 semaphore(%arg10 : memref<!tpu.dma_semaphore, #tpu.memory_space<semaphore_mem>>) src(%arg6 : memref<32x1024xf32, #tpu.memory_space<vmem>>) dst(%dma_wait3A_88 : memref<32x1024xf32, #tpu.memory_space<hbm>>)
    %add3A_89 = arith.constant 992 : i32
    %add3A_90 = arith.addi %mul3A_34, %add3A_89 : i32
    %dma_wait3A_91 = arith.constant 0 : i32
    %dma_wait3A_92 = tpu.memref_slice %arg4[%add3A_90, %dma_wait3A_91] : memref<32768x1024xf32, #tpu.memory_space<hbm>> -> memref<32x1024xf32, #tpu.memory_space<hbm>>
    %dma_wait3A_93 = arith.constant 0 : i32
    %dma_wait3A_94 = tpu.memref_slice %arg4[%add3A_90, %dma_wait3A_93] : memref<32768x1024xf32, #tpu.memory_space<hbm>> -> memref<32x1024xf32, #tpu.memory_space<hbm>>
    tpu.wait_dma2 semaphore(%arg11 : memref<!tpu.dma_semaphore, #tpu.memory_space<semaphore_mem>>) src(%arg7 : memref<32x1024xf32, #tpu.memory_space<vmem>>) dst(%dma_wait3A_94 : memref<32x1024xf32, #tpu.memory_space<hbm>>)
    return
  }
}

</mosaic_0001>

<sc_bundles>
// kernel: kernel.3.cloned.1.call-start
scs
__scs_entry_jumppad:
0x0: {  	(pc) =	sbr.rel $0x88, $3  }
0x1: {  	(tag) =	ssettag $0x0;
	lr =	simm.s32 $0x1  }
0x2: {  	[smem:$0x3F9F] =	sst lr;
	_ =	strace $0xD0000000  }
0x3: {  	_ = 	snop  }
0x4: {  	_ = 	snop  }
0x5: {  	_ = 	snop  }
0x6: {  	_ = 	snop  }
0x7: {  	_ = 	snop  }
__scs_overlays_trampoline_lowered:
0x8: {  	[smem:$0x3FAE] =	sst s0  }
0x9: {  	[smem:$0x3FAF] =	sst s1  }
0xa: {  	[smem:$0x3FB0] =	sst s2  }
0xb: {  	[smem:$0x3FB1] =	sst s3  }
0xc: {  	[smem:$0x3FB2] =	sst s4  }
0xd: {  	[smem:$0x3FB3] =	sst s5  }
0xe: {  	[smem:$0x3FB4] =	sst s6  }
0xf: {  	[smem:$0x3FB5] =	sst s7  }
0x10: {  	[smem:$0x3FB6] =	sst s8  }
0x11: {  	[smem:$0x3FB7] =	sst s9;
	s0 =	simm.s32 @!p0 $0x0  }
0x12: {  	s1 =	sld [smem:$0x3F9D];
	s0 =	simm.s32 @p0 $0x1  }
0x13: {  	[smem:$0x3FB8] =	sst s0;
	s0 =	simm.s32 @!p1 $0x0  }
0x14: {  	s2 =	sld [smem:$0x3F9C];
	s0 =	simm.s32 @p1 $0x1  }
0x15: {  	[smem:$0x3FB9] =	sst s0;
	s0 =	simm.s32 @!p2 $0x0  }
0x16: {  	s3 =	sld [smem:$0x3FDB];
	s0 =	simm.s32 @p2 $0x1  }
0x17: {  	s4 =	simm.s32 $0x1BF5;
	[smem:$0x3FBB] =	sst s0  }
0x18: {  	s0 =	sld [smem:$0x3F9E];
	_ =	swait.ge [sflag:s4], $0x0  }
0x19: {  	s7 =	sld [smem:$0x3F9F]  }
0x1a: {  	s8 =	sadd.s32 $0xFFFFE003, lr  }
0x1b: {  	s9 =	sadd.s32 $0xFFFFFEF7, lr;
	s5 =	simm.s32 $0xFFFFFFFF;
	p2 =	slt.u32 s8, $0xFFFFF086  }
0x1c: {  	p1 =	slt.u32 s9, $0xF7A;
	s5 =	simm.s32 @!p2 $0x0  }
0x1d: {  	s5 =	simm.s32 @p1 $0x1;
	p0 =	seq.s32 s7, s2  }
0x1e: {  	s7 =	smul.u32 @!p0 $0xF7A, s2;
	p2 =	seq.s32 @!p0 s5, $0x0  }
0x1f: {  	s9 =	smul.u32 $0xF7A, s1;
	s8 =	simm.s32 @!p0 $0x1BF5;
	p2 =	por !p2, p0  }
0x20: {  	[sflag:s8] =	ssyncset.s32 @!p0 $0xFFFFF086;
	s6 =	sadd.s32 @!p0 s3, s7;
	s7 =	simm.s32 @!p0 $0x108  }
0x21: {  	s3 =	sadd.s32 s3, s9;
	s6 =	sadd.s32 @!p0 $0x88, s6;
	s7 =	simm.s32 @p2 $0x1082  }
0x22: {  	[simem:s7], [sflag:s8] =	dma.local @!p0 [hbm:s6], $0xF7A  }
0x23: {  	s9 =	sor.u32 $0xD0000000, s2;
	s6 =	simm.s32 $0x108;
	_ =	swait.ge @!p0 [sflag:s8], $0x0  }
0x24: {  	s3 =	sadd.s32 $0x88, s3;
	s6 =	simm.s32 @!p1 $0x1082;
	[sflag:s4] =	ssyncset.s32 $0xFFFFF086  }
0x25: {  	[simem:s6], [sflag:s4] =	dma.local [hbm:s3], $0xF7A  }
0x26: {  	[smem:$0x3F9F] =	sst s1;
	(tag) =	ssettag s2;
	_ =	strace s9  }
0x27: {  	s1 =	sld [smem:$0x3FAF]  }
0x28: {  	s2 =	sld [smem:$0x3FB0]  }
0x29: {  	s4 =	sld [smem:$0x3FB2]  }
0x2a: {  	p0 =	seq.s32 s5, $0x0;
	s5 =	sld [smem:$0x3FB3]  }
0x2b: {  	s6 =	sld [smem:$0x3FB4]  }
0x2c: {  	s7 =	sld [smem:$0x3FB5]  }
0x2d: {  	s3 =	simm.s32 $0x108;
	s8 =	sld [smem:$0x3FB6]  }
0x2e: {  	s3 =	simm.s32 @!p0 $0x1082;
	s9 =	sld [smem:$0x3FB7]  }
0x2f: {  	lr =	sadd.s32 s0, s3;
	s0 =	sld [smem:$0x3FAE]  }
0x30: {  	s3 =	sld [smem:$0x3FB1]  }
0x31: {  	[smem:$0x3FBA] =	sst s10  }
0x32: {  	s10 =	sld [smem:$0x3FB8];
	_ =	sdelay $0x3  }
0x33: {  	p0 =	seq.s32 s10, $0x1;
	s10 =	sld [smem:$0x3FBA];
	_ =	sdelay $0x3  }
0x34: {  	[smem:$0x3FBA] =	sst s10  }
0x35: {  	s10 =	sld [smem:$0x3FB9];
	_ =	sdelay $0x3  }
0x36: {  	p1 =	seq.s32 s10, $0x1;
	s10 =	sld [smem:$0x3FBA];
	_ =	sdelay $0x3  }
0x37: {  	[smem:$0x3FBA] =	sst s10  }
0x38: {  	s10 =	sld [smem:$0x3FBB]  }
0x39: {  	_ = 	snop;
	(pc) =	sbr.ind lr, $3  }
0x3a: {  	_ = 	snop  }
0x3b: {  	_ = 	snop  }
0x3c: {  	p2 =	seq.s32 s10, $0x1;
	s10 =	sld [smem:$0x3FBA]  }
0x3d: {  	_ =	shalt  }
0x3e: {  	_ =	shalt  }
0x3f: {  	_ =	shalt  }
0x40: {  	_ =	shalt  }
0x41: {  	_ =	shalt  }
0x42: {  	_ =	shalt  }
0x43: {  	_ =	shalt  }
0x44: {  	_ =	shalt  }
0x45: {  	_ =	shalt  }
0x46: {  	_ =	shalt  }
0x47: {  	_ =	shalt  }
0x48: {  	_ =	shalt  }
0x49: {  	_ =	shalt  }
0x4a: {  	_ =	shalt  }
0x4b: {  	_ =	shalt  }
0x4c: {  	_ =	shalt  }
0x4d: {  	_ =	shalt  }
0x4e: {  	_ =	shalt  }
0x4f: {  	_ =	shalt  }
0x50: {  	_ =	shalt  }
0x51: {  	_ =	shalt  }
0x52: {  	_ =	shalt  }
0x53: {  	_ =	shalt  }
0x54: {  	_ =	shalt  }
0x55: {  	_ =	shalt  }
0x56: {  	_ =	shalt  }
0x57: {  	_ =	shalt  }
0x58: {  	_ =	shalt  }
0x59: {  	_ =	shalt  }
0x5a: {  	_ =	shalt  }
0x5b: {  	_ =	shalt  }
0x5c: {  	_ =	shalt  }
0x5d: {  	_ =	shalt  }
0x5e: {  	_ =	shalt  }
0x5f: {  	_ =	shalt  }
0x60: {  	_ =	shalt  }
0x61: {  	_ =	shalt  }
0x62: {  	_ =	shalt  }
0x63: {  	_ =	shalt  }
0x64: {  	_ =	shalt  }
0x65: {  	_ =	shalt  }
0x66: {  	_ =	shalt  }
0x67: {  	_ =	shalt  }
0x68: {  	_ =	shalt  }
0x69: {  	_ =	shalt  }
0x6a: {  	_ =	shalt  }
0x6b: {  	_ =	shalt  }
0x6c: {  	_ =	shalt  }
0x6d: {  	_ =	shalt  }
0x6e: {  	_ =	shalt  }
0x6f: {  	_ =	shalt  }
0x70: {  	_ =	shalt  }
0x71: {  	_ =	shalt  }
0x72: {  	_ =	shalt  }
0x73: {  	_ =	shalt  }
0x74: {  	_ =	shalt  }
0x75: {  	_ =	shalt  }
0x76: {  	_ =	shalt  }
0x77: {  	_ =	shalt  }
0x78: {  	_ =	shalt  }
0x79: {  	_ =	shalt  }
0x7a: {  	_ =	shalt  }
0x7b: {  	_ =	shalt  }
0x7c: {  	_ =	shalt  }
0x7d: {  	_ =	shalt  }
0x7e: {  	_ =	shalt  }
0x7f: {  	_ =	shalt  }
0x80: {  	_ =	shalt  }
0x81: {  	_ =	shalt  }
0x82: {  	_ =	shalt  }
0x83: {  	_ =	shalt  }
0x84: {  	_ =	shalt  }
0x85: {  	_ =	shalt  }
0x86: {  	_ =	shalt  }
0x87: {  	_ =	shalt  }
.Lfunc_end0:
.L_simem_size_0:
called_computation_lowered:
.L_overlay_start_0:
0x88: {  	s2 =	sld [smem:$0x3FD9]  }
0x89: {  	s3 =	sld [smem:$0x3FFE];
	_ =	sdelay $0x1  }
0x8a: {  	s1 =	srdreg.scid  }
0x8b: {  	s0 =	sand.u32 $0x1, s1  }
0x8c: {  	s18 =	sshll.u32 s0, $0xA;
	s2 =	sadd.s32 s3, s2  }
0x8d: {  	s2 =	sadd.s32 s2, s18  }
0x8e: {  	[smem:$0x3FC6] =	sst s2  }
0x8f: {  	_ = 	snop  }
0x90: {  	s2 =	sld [smem:$0x3FC9]  }
0x91: {  	s19 =	sld [smem:$0x3FC8]  }
0x92: {  	s4 =	sld [smem:$0x3FD0];
	(tm) =	ssettm $0x1  }
0x93: {  	s5 =	sld [smem:$0x3FFB];
	_ =	sdelay $0x3  }
0x94: {  	_ =	strace s5  }
0x95: {  	s5 =	sld [smem:$0x3FFC];
	_ =	sdelay $0x3  }
0x96: {  	_ =	strace s5  }
0x97: {  	s5 =	sld [smem:$0x3FFD];
	_ =	sdelay $0x3  }
0x98: {  	_ =	strace s5  }
0x99: {  	_ =	strace $0x8FFFFFFF  }
0x9a: {  	s20 =	sld [smem:$0x3FDB];
	_ =	sdelay $0x1  }
0x9b: {  	s6 =	simm.s32 $_scs_section_size  }
0x9c: {  	s7 =	simm.s32 $_size__tile_overlayer_lowered;
	s8 =	simm.s32 $_tile_overlayer_lowered  }
0x9d: {  	s23 =	simm.s32 $0x1BFF;
	s22 =	sshll.u32 s8, $0x1;
	s5 =	sadd.s32 s6, s20  }
0x9e: {  	s9 =	simm.s32 $0x0;
	s21 =	sshll.u32 s7, $0x1;
	s7 =	sadd.s32 s22, s5  }
0x9f: {  	[timem:s9], [sflag:s23] =	dma.local [hbm:s7], s21  }
0xa0: {  	_ =	swait.ge [sflag:s23], s21  }
0xa1: {  	s6 =	ssub.s32 $0x0, s21;
	[sflag:s23] =	ssyncset.done $0x0  }
0xa2: {  	[sflag:s23] =	ssyncadd.s32 s6;
	_ =	sdelay $0x1  }
0xa3: {  	s24 =	simm.s32 $0x1B8B  }
0xa4: {  	_ =	swait.ge [sflag:s24], $0x1  }
0xa5: {  	[sflag:s24] =	ssyncset.done $0x0  }
0xa6: {  	s25 =	simm.s32 $0x1B8E;
	[sflag:s24] =	ssyncadd.s32 $0xFFFFFFFF  }
0xa7: {  	s26 =	simm.s32 $execute0_lowered;
	[smem:$0x3FD2] =	sst s25  }
0xa8: {  	s6 =	sshll.u32 s26, $0x1;
	_ =	strace $0x80000046;
	[dreg:$0x1] =	wrdreg $0xFFFFFFFF  }
0xa9: {  	s28 =	simm.s32 $_size_execute0_lowered;
	s5 =	sadd.s32 s5, s6;
	[dreg:$0x0] =	wrdreg $0x0  }
0xaa: {  	s6 =	sshll.u32 s28, $0x1;
	[dreg:$0x2] =	wrdreg s5  }
0xab: {  	[dreg:$0x3] =	wrdreg s6  }
0xac: {  	[dreg:$0x4] =	wrdreg $0xC0  }
0xad: {  	_ =	task [dreg:s9], $0x5FFFF  }
0xae: {  	[dreg:$0x1] =	wrdreg $0xFFFFFFFF  }
0xaf: {  	[dreg:$0x0] =	wrdreg $0x60  }
0xb0: {  	[dreg:$0x2] =	wrdreg s2  }
0xb1: {  	[dreg:$0x3] =	wrdreg s19  }
0xb2: {  	[dreg:$0x4] =	wrdreg s4  }
0xb3: {  	[dreg:$0x5] =	wrdreg $0x9  }
0xb4: {  	_ =	task.clear_ibuf [dreg:s9], $0x6FFFF;
	_ =	strace $0x90000046  }
0xb5: {  	s29 =	simm.s32 $0x9;
	_ =	strace $0x80000048  }
0xb6: {  	_ =	swait.ge [sflag:s29], $0x1  }
0xb7: {  	[sflag:s29] =	ssyncadd.s32 $0xFFFFFFFF  }
0xb8: {  	_ =	strace $0x90000048  }
0xb9: {  	_ =	sfence  }
0xba: {  	s30 =	sld [smem:$0x0];
	_ =	sdelay $0x2  }
0xbb: {  	s31 =	sshll.u32 s1, $0xD;
	s1 =	sshrl.u32 s1, $0x2  }
0xbc: {  	s3 =	sand.u32 $0x4000, s31;
	s1 =	sadd.s32 s1, s30  }
0xbd: {  	s0 =	sor.u32 s3, s0;
	s1 =	sshll.u32 s1, $0x11  }
0xbe: {  	s0 =	sor.u32 s1, s0  }
0xbf: {  	s0 =	sadd.s32 $0x8F2B, s0  }
0xc0: {  	[sflag:s0] =	ssyncadd.remote.s32 $0x1  }
0xc1: {  	_ =	sfence.sel $0xFFFF  }
0xc2: {  	[dreg:$0x0] =	wrdreg $0xFFFFFFFF;
	(pc) =	sbr.abs _section_cstart, $3  }
0xc3: {  	[dreg:$0x1] =	wrdreg $0xFFFFFFFF  }
0xc4: {  	_ =	task.clear_ibuf [dreg:s9], $0x2FFFF;
	_ =	strace $0x9FFFFFFF  }
0xc5: {  	(tm) =	ssettm $0x7FFFFFFF  }
tec
execute0_lowered:
.L_overlay_start_1:
0x0: {  	(tag) =	ssettag $0x1  }
0x1: {  	s0 =	rddreg [dreg:$0x0]  }
0x2: {  	s1 =	rddreg [dreg:$0x1]  }
0x3: {  	s3 =	rddreg [dreg:$0x2]  }
0x4: {  	s4 =	srdreg.scid;
	s2 =	simm.s32 $0x0;
	s8 =	stileid.u32  }
0x5: {  	s29 =	simm.s32 $0x400;
	s28 =	simm.s32 $0x2400;
	s11 =	simm.s32 $0x6400  }
0x6: {  	s13 =	simm.s32 $0x6C00;
	s15 =	simm.s32 $0x7400;
	s16 =	simm.s32 $0x7C00  }
0x7: {  	s30 =	simm.s32 $0x8400;
	s17 =	simm.s32 $0x8C00;
	s18 =	simm.s32 $0x9400  }
0x8: {  	s31 =	simm.s32 $0xA400;
	s19 =	simm.s32 $0x1;
	s5 =	sand.u32 $0x1, s4  }
0x9: {  	[smem:$0x7FF] =	sst s2;
	s6 =	sshll.u32 s8, $0x1;
	s8 =	sshll.u32 s8, $0x12  }
0xa: {  	s4 =	ssub.s32 $0x2, s5;
	_ =	strace $0x80000047;
	s6 =	sor.u32 s5, s6  }
0xb: {  	s9 =	sand.u32 $0x300000, s8;
	s23 =	sadd.s32 s8, s3;
	s24 =	sshll.u32 s5, $0x11  }
0xc: {  	s5 =	simm.s32 $0x4400;
	s8 =	simm.s32 $0x5C00;
	s7 =	sshrl.u32 s4, $0x1  }
0xd: {  	s20 =	sshll.u32 s6, $0x7;
	s6 =	sshll.u32 s6, $0x11;
	s26 =	sadd.s32 s24, s23  }
0xe: {  	s24 =	simm.s32 $0xC00;
	s23 =	simm.s32 $0x0;
	s7 =	ssub.s32 s4, s7  }
0xf: {  	s4 =	sand.u32 $0x380, s20;
	s21 =	sadd.s32 s6, s3;
	[dreg:$0x4] =	wrdreg s26  }
0x10: {  	s26 =	simm.s32 $0x1C00;
	s3 =	simm.s32 $0x3C00;
	s6 =	simm.s32 $0x4C00  }
0x11: {  	s20 =	simm.s32 $0x3;
	[dreg:$0x9] =	wrdreg s23;
	s1 =	sadd.s32 s1, s4  }
0x12: {  	s4 =	sadd.s32 s0, s9;
	s22 =	sadd.s32 $0x1E000, s21;
	[dreg:$0x5] =	wrdreg s1  }
0x13: {  	s0 =	sadd.s32 $0x1F000, s21;
	s25 =	smax.u32 s7, $0x1;
	[dreg:$0x6] =	wrdreg s22  }
0x14: {  	s7 =	simm.s32 $0x5400;
	s9 =	simm.s32 $0x9C00;
	[dreg:$0x7] =	wrdreg s0  }
0x15: {  	v2 =	vlaneseq.u32;
	s21 =	simm.s32 $0x2;
	[dreg:$0x8] =	wrdreg s25;
	s10 =	sadd.s32 $0x100, s4  }
0x16: {  	vm0 =	vmmov $0xffff;
	v1 =	vshrl.u32 v2, $0x3;
	s12 =	sadd.s32 $0x200, s4;
	s25 =	simm.s32 $0x1400;
	s14 =	sadd.s32 $0x300, s4  }
0x17: {  	v0 =	vand.u32 $0x7, v2;
	v2 =	vor.u32 $0x8, v2;
	v1 =	vmul.u32 $0x8, v1;
	s0 =	simm.s32 $0x2C00;
	s1 =	simm.s32 $0x3400;
	s22 =	simm.s32 $0x4  }
.LBB2_1:
0x18: {  	s23 =	rddreg [dreg:$0x5]  }
0x19: {  	[tilespmem:s2], [sflag:$0x5] =	stream.linear.gather [hbm4b:s23+s2], $0x400, $0x38;
	[tilespmem:$0x10400] =	vst v63  }
0x1a: {  	s23 =	simm.s32 $0x5  }
0x1b: {  	_ =	swait.ge [sflag:s23], $0x400  }
0x1c: {  	[sflag:s23] =	ssyncset.done $0x0  }
0x1d: {  	[sflag:s23] =	ssyncadd.s32 $0xFFFFFC00  }
0x1e: {  	v3 =	vld [tilespmem:$0x0];
	_ =	sdelay $0x4  }
0x1f: {  	v4 =	vshll.u32 v3, $0x3  }
0x20: {  	v3 =	vand.u32 $0x7, v3;
	v4 =	vand.u32 $0xFFFFFFC0, v4  }
0x21: {  	v3 =	vor.u32 v3, v4  }
0x22: {  	v4 =	vperm.xlane v3, v0;
	_ =	sdelay $0x1  }
0x23: {  	v4 =	vadd.s32 v1, v4;
	_ =	sdelay $0x4  }
0x24: {  	[tilespmem:s29], [sflag:$0x1] =	stream.indirect_vreg.gather [hbm4b:s4+s2], $0x80, v4, vm0, $0xb8;
	[tilespmem:$0x10400] =	vst v63  }
0x25: {  	v3 =	vperm.xlane v3, v2  }
0x26: {  	[tilespmem:s24], [sflag:$0x1] =	stream.indirect_vreg.gather [hbm4b:s10+s2], $0x80, v4, vm0, $0xb8;
	[tilespmem:$0x10400] =	vst v63  }
0x27: {  	v3 =	vadd.s32 v1, v3  }
0x28: {  	[tilespmem:s25], [sflag:$0x1] =	stream.indirect_vreg.gather [hbm4b:s12+s2], $0x80, v4, vm0, $0xb8;
	[tilespmem:$0x10400] =	vst v63  }
0x29: {  	_ = 	snop  }
0x2a: {  	[tilespmem:s26], [sflag:$0x1] =	stream.indirect_vreg.gather [hbm4b:s14+s2], $0x80, v4, vm0, $0xb8;
	[tilespmem:$0x10400] =	vst v63  }
0x2b: {  	_ = 	snop  }
0x2c: {  	[tilespmem:s28], [sflag:$0x1] =	stream.indirect_vreg.gather [hbm4b:s4+s2], $0x80, v3, vm0, $0xb8;
	[tilespmem:$0x10400] =	vst v63  }
0x2d: {  	_ = 	snop  }
0x2e: {  	[tilespmem:s0], [sflag:$0x1] =	stream.indirect_vreg.gather [hbm4b:s10+s2], $0x80, v3, vm0, $0xb8;
	[tilespmem:$0x10400] =	vst v63  }
0x2f: {  	_ = 	snop  }
0x30: {  	[tilespmem:s1], [sflag:$0x1] =	stream.indirect_vreg.gather [hbm4b:s12+s2], $0x80, v3, vm0, $0xb8;
	[tilespmem:$0x10400] =	vst v63  }
0x31: {  	_ = 	snop  }
0x32: {  	[tilespmem:s3], [sflag:$0x1] =	stream.indirect_vreg.gather [hbm4b:s14+s2], $0x80, v3, vm0, $0xb8;
	[tilespmem:$0x10400] =	vst v63  }
0x33: {  	v3 =	vld [tilespmem:$0x10];
	_ =	sdelay $0x4  }
0x34: {  	v61 =	vshll.u32 v3, $0x3  }
0x35: {  	v3 =	vand.u32 $0x7, v3;
	v4 =	vand.u32 $0xFFFFFFC0, v61  }
0x36: {  	v3 =	vor.u32 v3, v4  }
0x37: {  	v4 =	vperm.xlane v3, v0;
	_ =	sdelay $0x1  }
0x38: {  	v4 =	vadd.s32 v1, v4;
	_ =	sdelay $0x4  }
0x39: {  	[tilespmem:s5], [sflag:$0x1] =	stream.indirect_vreg.gather [hbm4b:s4+s2], $0x80, v4, vm0, $0xb8;
	[tilespmem:$0x10400] =	vst v63  }
0x3a: {  	v3 =	vperm.xlane v3, v2  }
0x3b: {  	[tilespmem:s6], [sflag:$0x1] =	stream.indirect_vreg.gather [hbm4b:s10+s2], $0x80, v4, vm0, $0xb8;
	[tilespmem:$0x10400] =	vst v63  }
0x3c: {  	v3 =	vadd.s32 v1, v3  }
0x3d: {  	[tilespmem:s7], [sflag:$0x1] =	stream.indirect_vreg.gather [hbm4b:s12+s2], $0x80, v4, vm0, $0xb8;
	[tilespmem:$0x10400] =	vst v63  }
0x3e: {  	_ = 	snop  }
0x3f: {  	[tilespmem:s8], [sflag:$0x1] =	stream.indirect_vreg.gather [hbm4b:s14+s2], $0x80, v4, vm0, $0xb8;
	[tilespmem:$0x10400] =	vst v63  }
0x40: {  	_ = 	snop  }
0x41: {  	[tilespmem:s11], [sflag:$0x1] =	stream.indirect_vreg.gather [hbm4b:s4+s2], $0x80, v3, vm0, $0xb8;
	[tilespmem:$0x10400] =	vst v63  }
0x42: {  	_ = 	snop  }
0x43: {  	[tilespmem:s13], [sflag:$0x1] =	stream.indirect_vreg.gather [hbm4b:s10+s2], $0x80, v3, vm0, $0xb8;
	[tilespmem:$0x10400] =	vst v63  }
0x44: {  	_ = 	snop  }
0x45: {  	[tilespmem:s15], [sflag:$0x1] =	stream.indirect_vreg.gather [hbm4b:s12+s2], $0x80, v3, vm0, $0xb8;
	[tilespmem:$0x10400] =	vst v63  }
0x46: {  	_ = 	snop  }
0x47: {  	[tilespmem:s16], [sflag:$0x1] =	stream.indirect_vreg.gather [hbm4b:s14+s2], $0x80, v3, vm0, $0xb8;
	[tilespmem:$0x10400] =	vst v63  }
0x48: {  	v3 =	vld [tilespmem:$0x20];
	_ =	sdelay $0x4  }
0x49: {  	v62 =	vshll.u32 v3, $0x3  }
0x4a: {  	v3 =	vand.u32 $0x7, v3;
	v4 =	vand.u32 $0xFFFFFFC0, v62  }
0x4b: {  	v3 =	vor.u32 v3, v4  }
0x4c: {  	v4 =	vperm.xlane v3, v0;
	_ =	sdelay $0x1  }
0x4d: {  	v4 =	vadd.s32 v1, v4;
	_ =	sdelay $0x4  }
0x4e: {  	[tilespmem:s30], [sflag:$0x2] =	stream.indirect_vreg.gather [hbm4b:s4+s2], $0x80, v4, vm0, $0xb8;
	[tilespmem:$0x10400] =	vst v63  }
0x4f: {  	v3 =	vperm.xlane v3, v2  }
0x50: {  	[tilespmem:s17], [sflag:$0x2] =	stream.indirect_vreg.gather [hbm4b:s10+s2], $0x80, v4, vm0, $0xb8;
	[tilespmem:$0x10400] =	vst v63  }
0x51: {  	v3 =	vadd.s32 v1, v3  }
0x52: {  	[tilespmem:s18], [sflag:$0x2] =	stream.indirect_vreg.gather [hbm4b:s12+s2], $0x80, v4, vm0, $0xb8;
	[tilespmem:$0x10400] =	vst v63  }
0x53: {  	_ = 	snop  }
0x54: {  	[tilespmem:s9], [sflag:$0x2] =	stream.indirect_vreg.gather [hbm4b:s14+s2], $0x80, v4, vm0, $0xb8;
	[tilespmem:$0x10400] =	vst v63  }
0x55: {  	_ = 	snop  }
0x56: {  	[tilespmem:s31], [sflag:$0x2] =	stream.indirect_vreg.gather [hbm4b:s4+s2], $0x80, v3, vm0, $0xb8;
	[tilespmem:$0x10400] =	vst v63  }
0x57: {  	s15 =	simm.s32 $0xAC00  }
0x58: {  	[tilespmem:s15], [sflag:$0x2] =	stream.indirect_vreg.gather [hbm4b:s10+s2], $0x80, v3, vm0, $0xb8;
	[tilespmem:$0x10400] =	vst v63  }
0x59: {  	s16 =	simm.s32 $0xB400  }
0x5a: {  	[tilespmem:s16], [sflag:$0x2] =	stream.indirect_vreg.gather [hbm4b:s12+s2], $0x80, v3, vm0, $0xb8;
	[tilespmem:$0x10400] =	vst v63  }
0x5b: {  	s17 =	simm.s32 $0xBC00  }
0x5c: {  	[tilespmem:s17], [sflag:$0x2] =	stream.indirect_vreg.gather [hbm4b:s14+s2], $0x80, v3, vm0, $0xb8;
	[tilespmem:$0x10400] =	vst v63  }
0x5d: {  	v3 =	vld [tilespmem:$0x30];
	_ =	sdelay $0x4  }
0x5e: {  	v63 =	vshll.u32 v3, $0x3  }
0x5f: {  	v3 =	vand.u32 $0x7, v3;
	v4 =	vand.u32 $0xFFFFFFC0, v63  }
0x60: {  	v3 =	vor.u32 v3, v4  }
0x61: {  	v4 =	vperm.xlane v3, v0;
	_ =	sdelay $0x1  }
0x62: {  	v4 =	vadd.s32 v1, v4;
	_ =	sdelay $0x2  }
0x63: {  	s23 =	simm.s32 $0xCC00  }
0x64: {  	s29 =	simm.s32 $0xEC00;
	s24 =	simm.s32 $0xD400;
	s18 =	simm.s32 $0xC400  }
0x65: {  	[tilespmem:s18], [sflag:$0x2] =	stream.indirect_vreg.gather [hbm4b:s4+s2], $0x80, v4, vm0, $0xb8;
	[tilespmem:$0x10400] =	vst v63  }
0x66: {  	s25 =	simm.s32 $0xDC00;
	s26 =	simm.s32 $0xE400;
	s28 =	simm.s32 $0x1400;
	v3 =	vperm.xlane v3, v2  }
0x67: {  	[tilespmem:s23], [sflag:$0x2] =	stream.indirect_vreg.gather [hbm4b:s10+s2], $0x80, v4, vm0, $0xb8;
	[tilespmem:$0x10400] =	vst v63  }
0x68: {  	s1 =	simm.s32 $0xFC00;
	s3 =	simm.s32 $0x3C00;
	s5 =	simm.s32 $0x4400;
	v3 =	vadd.s32 v1, v3  }
0x69: {  	[tilespmem:s24], [sflag:$0x2] =	stream.indirect_vreg.gather [hbm4b:s12+s2], $0x80, v4, vm0, $0xb8;
	[tilespmem:$0x10400] =	vst v63  }
0x6a: {  	s6 =	simm.s32 $0x4C00;
	s7 =	simm.s32 $0x5400;
	s8 =	simm.s32 $0x5C00  }
0x6b: {  	[tilespmem:s25], [sflag:$0x2] =	stream.indirect_vreg.gather [hbm4b:s14+s2], $0x80, v4, vm0, $0xb8;
	[tilespmem:$0x10400] =	vst v63  }
0x6c: {  	s11 =	simm.s32 $0x6400;
	s13 =	simm.s32 $0x6C00;
	s30 =	simm.s32 $0xF400  }
0x6d: {  	[tilespmem:s26], [sflag:$0x2] =	stream.indirect_vreg.gather [hbm4b:s4+s2], $0x80, v3, vm0, $0xb8;
	[tilespmem:$0x10400] =	vst v63  }
0x6e: {  	s9 =	simm.s32 $0x9C00;
	s31 =	simm.s32 $0x2400;
	s15 =	simm.s32 $0x7400  }
0x6f: {  	[tilespmem:s29], [sflag:$0x2] =	stream.indirect_vreg.gather [hbm4b:s10+s2], $0x80, v3, vm0, $0xb8;
	[tilespmem:$0x10400] =	vst v63  }
0x70: {  	s16 =	simm.s32 $0x7C00;
	s17 =	simm.s32 $0x8C00;
	s18 =	simm.s32 $0x9400  }
0x71: {  	[tilespmem:s30], [sflag:$0x2] =	stream.indirect_vreg.gather [hbm4b:s12+s2], $0x80, v3, vm0, $0xb8;
	[tilespmem:$0x10400] =	vst v63  }
0x72: {  	s23 =	simm.s32 $0x70;
	s24 =	simm.s32 $0x0;
	s26 =	simm.s32 $0xA400  }
0x73: {  	[tilespmem:s1], [sflag:$0x2] =	stream.indirect_vreg.gather [hbm4b:s14+s2], $0x80, v3, vm0, $0xb8;
	[tilespmem:$0x10400] =	vst v63  }
.LBB2_2:
0x74: {  	_ =	swait.ge [sflag:s19], $0x8000  }
0x75: {  	s25 =	rddreg [dreg:$0x4];
	[sflag:s19] =	ssyncset.done $0x0  }
0x76: {  	s30 =	simm.s32 $0x400;
	[sflag:s19] =	ssyncadd.s32 $0xFFFF8000;
	s25 =	sadd.s32 s24, s25  }
0x77: {  	[hbm4b:s25+s2] =	stream.linear.scatter [tilespmem:s30], [sflag:$0x3], $0x8000, $0x38;
	[tilespmem:$0x10400] =	vst v63  }
0x78: {  	_ =	swait.ge [sflag:s20], $0x8000  }
0x79: {  	[sflag:s20] =	ssyncset.done $0x0  }
0x7a: {  	[sflag:s20] =	ssyncadd.s32 $0xFFFF8000  }
0x7b: {  	v3 =	vld [tilespmem:s23+$0xFFFFFFD0];
	_ =	sdelay $0x4  }
0x7c: {  	v4 =	vshll.u32 v3, $0x3  }
0x7d: {  	v3 =	vand.u32 $0x7, v3;
	v4 =	vand.u32 $0xFFFFFFC0, v4  }
0x7e: {  	v3 =	vor.u32 v3, v4  }
0x7f: {  	v4 =	vperm.xlane v3, v0;
	_ =	sdelay $0x1  }
0x80: {  	v4 =	vadd.s32 v1, v4;
	_ =	sdelay $0x4  }
0x81: {  	[tilespmem:s30], [sflag:$0x1] =	stream.indirect_vreg.gather [hbm4b:s4+s2], $0x80, v4, vm0, $0xb8;
	[tilespmem:$0x10400] =	vst v63  }
0x82: {  	s0 =	simm.s32 $0xC00;
	v3 =	vperm.xlane v3, v2  }
0x83: {  	[tilespmem:s0], [sflag:$0x1] =	stream.indirect_vreg.gather [hbm4b:s10+s2], $0x80, v4, vm0, $0xb8;
	[tilespmem:$0x10400] =	vst v63  }
0x84: {  	v3 =	vadd.s32 v1, v3  }
0x85: {  	[tilespmem:s28], [sflag:$0x1] =	stream.indirect_vreg.gather [hbm4b:s12+s2], $0x80, v4, vm0, $0xb8;
	[tilespmem:$0x10400] =	vst v63  }
0x86: {  	s0 =	simm.s32 $0x1C00  }
0x87: {  	[tilespmem:s0], [sflag:$0x1] =	stream.indirect_vreg.gather [hbm4b:s14+s2], $0x80, v4, vm0, $0xb8;
	[tilespmem:$0x10400] =	vst v63  }
0x88: {  	_ = 	snop  }
0x89: {  	[tilespmem:s31], [sflag:$0x1] =	stream.indirect_vreg.gather [hbm4b:s4+s2], $0x80, v3, vm0, $0xb8;
	[tilespmem:$0x10400] =	vst v63  }
0x8a: {  	s0 =	simm.s32 $0x2C00  }
0x8b: {  	[tilespmem:s0], [sflag:$0x1] =	stream.indirect_vreg.gather [hbm4b:s10+s2], $0x80, v3, vm0, $0xb8;
	[tilespmem:$0x10400] =	vst v63  }
0x8c: {  	s0 =	simm.s32 $0x3400  }
0x8d: {  	[tilespmem:s0], [sflag:$0x1] =	stream.indirect_vreg.gather [hbm4b:s12+s2], $0x80, v3, vm0, $0xb8;
	[tilespmem:$0x10400] =	vst v63  }
0x8e: {  	_ = 	snop  }
0x8f: {  	[tilespmem:s3], [sflag:$0x1] =	stream.indirect_vreg.gather [hbm4b:s14+s2], $0x80, v3, vm0, $0xb8;
	[tilespmem:$0x10400] =	vst v63  }
0x90: {  	v3 =	vld [tilespmem:s23+$0xFFFFFFE0];
	_ =	sdelay $0x4  }
0x91: {  	v61 =	vshll.u32 v3, $0x3  }
0x92: {  	v3 =	vand.u32 $0x7, v3;
	v4 =	vand.u32 $0xFFFFFFC0, v61  }
0x93: {  	v3 =	vor.u32 v3, v4  }
0x94: {  	v4 =	vperm.xlane v3, v0;
	_ =	sdelay $0x1  }
0x95: {  	v4 =	vadd.s32 v1, v4;
	_ =	sdelay $0x4  }
0x96: {  	[tilespmem:s5], [sflag:$0x1] =	stream.indirect_vreg.gather [hbm4b:s4+s2], $0x80, v4, vm0, $0xb8;
	[tilespmem:$0x10400] =	vst v63  }
0x97: {  	v3 =	vperm.xlane v3, v2  }
0x98: {  	[tilespmem:s6], [sflag:$0x1] =	stream.indirect_vreg.gather [hbm4b:s10+s2], $0x80, v4, vm0, $0xb8;
	[tilespmem:$0x10400] =	vst v63  }
0x99: {  	v3 =	vadd.s32 v1, v3  }
0x9a: {  	[tilespmem:s7], [sflag:$0x1] =	stream.indirect_vreg.gather [hbm4b:s12+s2], $0x80, v4, vm0, $0xb8;
	[tilespmem:$0x10400] =	vst v63  }
0x9b: {  	_ = 	snop  }
0x9c: {  	[tilespmem:s8], [sflag:$0x1] =	stream.indirect_vreg.gather [hbm4b:s14+s2], $0x80, v4, vm0, $0xb8;
	[tilespmem:$0x10400] =	vst v63  }
0x9d: {  	_ = 	snop  }
0x9e: {  	[tilespmem:s11], [sflag:$0x1] =	stream.indirect_vreg.gather [hbm4b:s4+s2], $0x80, v3, vm0, $0xb8;
	[tilespmem:$0x10400] =	vst v63  }
0x9f: {  	_ = 	snop  }
0xa0: {  	[tilespmem:s13], [sflag:$0x1] =	stream.indirect_vreg.gather [hbm4b:s10+s2], $0x80, v3, vm0, $0xb8;
	[tilespmem:$0x10400] =	vst v63  }
0xa1: {  	_ = 	snop  }
0xa2: {  	[tilespmem:s15], [sflag:$0x1] =	stream.indirect_vreg.gather [hbm4b:s12+s2], $0x80, v3, vm0, $0xb8;
	[tilespmem:$0x10400] =	vst v63  }
0xa3: {  	_ = 	snop  }
0xa4: {  	[tilespmem:s16], [sflag:$0x1] =	stream.indirect_vreg.gather [hbm4b:s14+s2], $0x80, v3, vm0, $0xb8;
	[tilespmem:$0x10400] =	vst v63  }
0xa5: {  	_ =	swait.ge [sflag:s21], $0x8000  }
0xa6: {  	[sflag:s21] =	ssyncset.done $0x0  }
0xa7: {  	s25 =	sadd.s32 $0x1000, s25;
	s0 =	simm.s32 $0x8400;
	[sflag:s21] =	ssyncadd.s32 $0xFFFF8000  }
0xa8: {  	[hbm4b:s25+s2] =	stream.linear.scatter [tilespmem:s0], [sflag:$0x4], $0x8000, $0x38;
	[tilespmem:$0x10400] =	vst v63  }
0xa9: {  	_ =	swait.ge [sflag:s22], $0x8000  }
0xaa: {  	[sflag:s22] =	ssyncset.done $0x0  }
0xab: {  	[sflag:s22] =	ssyncadd.s32 $0xFFFF8000  }
0xac: {  	v3 =	vld [tilespmem:s23+$0xFFFFFFF0];
	_ =	sdelay $0x4  }
0xad: {  	v62 =	vshll.u32 v3, $0x3  }
0xae: {  	v3 =	vand.u32 $0x7, v3;
	v4 =	vand.u32 $0xFFFFFFC0, v62  }
0xaf: {  	v3 =	vor.u32 v3, v4  }
0xb0: {  	v4 =	vperm.xlane v3, v0;
	_ =	sdelay $0x1  }
0xb1: {  	v4 =	vadd.s32 v1, v4;
	_ =	sdelay $0x4  }
0xb2: {  	[tilespmem:s0], [sflag:$0x2] =	stream.indirect_vreg.gather [hbm4b:s4+s2], $0x80, v4, vm0, $0xb8;
	[tilespmem:$0x10400] =	vst v63  }
0xb3: {  	v3 =	vperm.xlane v3, v2  }
0xb4: {  	[tilespmem:s17], [sflag:$0x2] =	stream.indirect_vreg.gather [hbm4b:s10+s2], $0x80, v4, vm0, $0xb8;
	[tilespmem:$0x10400] =	vst v63  }
0xb5: {  	v3 =	vadd.s32 v1, v3  }
0xb6: {  	[tilespmem:s18], [sflag:$0x2] =	stream.indirect_vreg.gather [hbm4b:s12+s2], $0x80, v4, vm0, $0xb8;
	[tilespmem:$0x10400] =	vst v63  }
0xb7: {  	_ = 	snop  }
0xb8: {  	[tilespmem:s9], [sflag:$0x2] =	stream.indirect_vreg.gather [hbm4b:s14+s2], $0x80, v4, vm0, $0xb8;
	[tilespmem:$0x10400] =	vst v63  }
0xb9: {  	_ = 	snop  }
0xba: {  	[tilespmem:s26], [sflag:$0x2] =	stream.indirect_vreg.gather [hbm4b:s4+s2], $0x80, v3, vm0, $0xb8;
	[tilespmem:$0x10400] =	vst v63  }
0xbb: {  	s25 =	simm.s32 $0xAC00  }
0xbc: {  	[tilespmem:s25], [sflag:$0x2] =	stream.indirect_vreg.gather [hbm4b:s10+s2], $0x80, v3, vm0, $0xb8;
	[tilespmem:$0x10400] =	vst v63  }
0xbd: {  	s25 =	simm.s32 $0xB400  }
0xbe: {  	[tilespmem:s25], [sflag:$0x2] =	stream.indirect_vreg.gather [hbm4b:s12+s2], $0x80, v3, vm0, $0xb8;
	[tilespmem:$0x10400] =	vst v63  }
0xbf: {  	s25 =	simm.s32 $0xBC00  }
0xc0: {  	[tilespmem:s25], [sflag:$0x2] =	stream.indirect_vreg.gather [hbm4b:s14+s2], $0x80, v3, vm0, $0xb8;
	[tilespmem:$0x10400] =	vst v63  }
0xc1: {  	v3 =	vld [tilespmem:s23+$0x0];
	_ =	sdelay $0x4  }
0xc2: {  	v63 =	vshll.u32 v3, $0x3  }
0xc3: {  	v3 =	vand.u32 $0x7, v3;
	v4 =	vand.u32 $0xFFFFFFC0, v63  }
0xc4: {  	v3 =	vor.u32 v3, v4  }
0xc5: {  	v4 =	vperm.xlane v3, v0;
	_ =	sdelay $0x1  }
0xc6: {  	v4 =	vadd.s32 v1, v4;
	_ =	sdelay $0x3  }
0xc7: {  	s25 =	simm.s32 $0xC400  }
0xc8: {  	[tilespmem:s25], [sflag:$0x2] =	stream.indirect_vreg.gather [hbm4b:s4+s2], $0x80, v4, vm0, $0xb8;
	[tilespmem:$0x10400] =	vst v63  }
0xc9: {  	v3 =	vperm.xlane v3, v2;
	s25 =	simm.s32 $0xCC00  }
0xca: {  	[tilespmem:s25], [sflag:$0x2] =	stream.indirect_vreg.gather [hbm4b:s10+s2], $0x80, v4, vm0, $0xb8;
	[tilespmem:$0x10400] =	vst v63  }
0xcb: {  	v3 =	vadd.s32 v1, v3;
	s25 =	simm.s32 $0xD400  }
0xcc: {  	[tilespmem:s25], [sflag:$0x2] =	stream.indirect_vreg.gather [hbm4b:s12+s2], $0x80, v4, vm0, $0xb8;
	[tilespmem:$0x10400] =	vst v63  }
0xcd: {  	s25 =	simm.s32 $0xDC00  }
0xce: {  	[tilespmem:s25], [sflag:$0x2] =	stream.indirect_vreg.gather [hbm4b:s14+s2], $0x80, v4, vm0, $0xb8;
	[tilespmem:$0x10400] =	vst v63  }
0xcf: {  	s25 =	simm.s32 $0xE400  }
0xd0: {  	[tilespmem:s25], [sflag:$0x2] =	stream.indirect_vreg.gather [hbm4b:s4+s2], $0x80, v3, vm0, $0xb8;
	[tilespmem:$0x10400] =	vst v63  }
0xd1: {  	p0 =	sne.s32 s24, $0x1C000;
	s25 =	simm.s32 $0xEC00  }
0xd2: {  	[tilespmem:s25], [sflag:$0x2] =	stream.indirect_vreg.gather [hbm4b:s10+s2], $0x80, v3, vm0, $0xb8;
	[tilespmem:$0x10400] =	vst v63  }
.Ltmp0:
0xd3: {  	_ = 	snop;
	(pc) =	sbr.rel @p0 .LBB2_2-.Ltmp0, $4  }
0xd4: {  	s29 =	simm.s32 $0x400;
	s25 =	simm.s32 $0xF400  }
0xd5: {  	[tilespmem:s25], [sflag:$0x2] =	stream.indirect_vreg.gather [hbm4b:s12+s2], $0x80, v3, vm0, $0xb8;
	[tilespmem:$0x10400] =	vst v63  }
0xd6: {  	s24 =	sadd.s32 $0x2000, s24;
	s30 =	simm.s32 $0x8400;
	s23 =	sadd.s32 $0x40, s23  }
0xd7: {  	[tilespmem:s1], [sflag:$0x2] =	stream.indirect_vreg.gather [hbm4b:s14+s2], $0x80, v3, vm0, $0xb8;
	[tilespmem:$0x10400] =	vst v63  }
0xd8: {  	_ =	swait.ge [sflag:s19], $0x8000  }
0xd9: {  	[sflag:s19] =	ssyncset.done $0x0  }
0xda: {  	s23 =	rddreg [dreg:$0x6];
	[sflag:s19] =	ssyncadd.s32 $0xFFFF8000  }
0xdb: {  	[hbm4b:s23+s2] =	stream.linear.scatter [tilespmem:s29], [sflag:$0x3], $0x8000, $0x38;
	[tilespmem:$0x10400] =	vst v63  }
0xdc: {  	_ =	swait.ge [sflag:s21], $0x8000  }
0xdd: {  	[sflag:s21] =	ssyncset.done $0x0  }
0xde: {  	s25 =	rddreg [dreg:$0x7];
	[sflag:s21] =	ssyncadd.s32 $0xFFFF8000  }
0xdf: {  	[hbm4b:s25+s2] =	stream.linear.scatter [tilespmem:s30], [sflag:$0x4], $0x8000, $0x38;
	[tilespmem:$0x10400] =	vst v63  }
0xe0: {  	_ =	swait.ge [sflag:s20], $0x8000  }
0xe1: {  	[sflag:s20] =	ssyncset.done $0x0  }
0xe2: {  	s24 =	simm.s32 $0xC00;
	[sflag:s20] =	ssyncadd.s32 $0xFFFF8000  }
0xe3: {  	s28 =	simm.s32 $0x2400;
	s1 =	simm.s32 $0x3400;
	_ =	swait.ge [sflag:s22], $0x8000  }
0xe4: {  	s3 =	simm.s32 $0x3C00;
	s5 =	simm.s32 $0x4400;
	s0 =	rddreg [dreg:$0x9]  }
0xe5: {  	s6 =	simm.s32 $0x4C00;
	s26 =	rddreg [dreg:$0x8];
	s0 =	sadd.s32 $0x1, s0  }
0xe6: {  	s7 =	simm.s32 $0x5400;
	s8 =	simm.s32 $0x5C00;
	p0 =	sne.s32 s0, s26  }
.Ltmp1:
0xe7: {  	s11 =	simm.s32 $0x6400;
	s13 =	simm.s32 $0x6C00;
	(pc) =	sbr.rel @p0 .LBB2_1-.Ltmp1, $4  }
0xe8: {  	s15 =	simm.s32 $0x7400;
	s16 =	simm.s32 $0x7C00;
	s17 =	simm.s32 $0x8C00  }
0xe9: {  	s18 =	simm.s32 $0x9400;
	s9 =	simm.s32 $0x9C00;
	[sflag:s22] =	ssyncset.done $0x0  }
0xea: {  	s31 =	simm.s32 $0xA400;
	s25 =	simm.s32 $0x1400;
	[sflag:s22] =	ssyncadd.s32 $0xFFFF8000  }
0xeb: {  	[dreg:$0x9] =	wrdreg s0;
	s26 =	simm.s32 $0x1C00;
	s0 =	simm.s32 $0x2C00  }
0xec: {  	_ =	sfence.sel $0x180000  }
0xed: {  	[bflag:$0x0] =	sbarrier.arrive $0xFFFF  }
0xee: {  	_ =	strace $0x90000047  }
0xef: {  	s0 =	stileid.u32;
	[bflag:$0x2] =	sbarrier.arrive $0xFFFF  }
0xf0: {  	p0 =	sne.s32 s0, $0x0;
	s0 =	rddreg [dreg:$0x3]  }
0xf1: {  	s0 =	sadd.s32 @!p0 $0x100000, s0  }
0xf2: {  	[sflag:s0] =	ssyncadd.tile.s32 @!p0 $0x1;
	_ =	shalt  }
.Lfunc_end2:
_tile_overlayer_lowered:
.L_overlay_start_2:
0xf3: {  	(tag) =	ssettag $0x2  }
0xf4: {  	s0 =	rddreg [dreg:$0x0];
	s2 =	stileid.u32  }
0xf5: {  	s1 =	rddreg [dreg:$0x1];
	p0 =	sne.s32 s2, $0x0  }
0xf6: {  	s3 =	rddreg [dreg:$0x2];
	[bflag:$0x3] =	sbarrier.arrive $0xFFFF;
	s2 =	simm.s32 @!p0 $0x1C05  }
0xf7: {  	[timem:s3], [sflag:s2] =	dma.local @!p0 [hbm:s0], s1  }
0xf8: {  	s0 =	simm.s32 @!p0 $0x5  }
0xf9: {  	_ =	swait.ge @!p0 [sflag:s0], s1  }
0xfa: {  	s1 =	ssub.s32 @!p0 $0x0, s1;
	[sflag:s0] =	ssyncset.done @!p0 $0x0  }
0xfb: {  	[sflag:s0] =	ssyncadd.s32 @!p0 s1  }
0xfc: {  	[bflag:$0x3] =	sbarrier.arrive $0xFFFF  }
0xfd: {  	_ =	shalt  }

</sc_bundles>
